<compile_context>
chip_gen: v7x
topology: tpu7x:2x2x1
jax: 0.10.2.dev20260603
libtpu: 0.0.44.dev20260713+nightly
codegen_flags: <defaults>
</compile_context>

<pallas_src>
import functools

import jax
import jax.numpy as jnp
from jax.experimental import pallas as pl
from jax.experimental.pallas import tpu as pltpu


def _decode_block(params_ref, x_ref, o_ref, y_ref, sems, *, nG, nCH, nA, nB):
    b = pl.program_id(0)
    par = jax.lax.rem(b, 2)
    n = nG * nG
    stride = params_ref[2 * nA]
    clipmax = params_ref[2 * nA + 1]

    def _dma(src_b, buf):
        return pltpu.make_async_copy(
            y_ref.at[buf], o_ref.at[src_b], sems.at[buf]
        )

    @pl.when(b >= 2)
    def _():
        _dma(b - 2, par).wait()

    x = x_ref[0].reshape(n, nA * nCH)
    xt = x.T

    g = jax.lax.broadcasted_iota(jnp.int32, (1, n), 1)
    gx = (g % nG).astype(jnp.float32)
    gy = (g // nG).astype(jnp.float32)
    cx = (gx + 0.5) * stride
    cy = (gy + 0.5) * stride

    for a in range(nA):
        base = a * nCH
        aw = params_ref[2 * a]
        ah = params_ref[2 * a + 1]
        e = jnp.exp(xt[base : base + 4, :])
        l = jnp.clip(e[0:1] * aw, 0.0, clipmax)
        t = jnp.clip(e[1:2] * ah, 0.0, clipmax)
        r = jnp.clip(e[2:3] * aw, 0.0, clipmax)
        bb = jnp.clip(e[3:4] * ah, 0.0, clipmax)
        xc = cx + (r - l) * 0.5
        yc = cy + (bb - t) * 0.5
        w = l + r
        h = t + bb
        sig = jax.nn.sigmoid(xt[base + 4 : base + nCH, :])
        y_ref[par, :, a * n : (a + 1) * n] = jnp.concatenate(
            [xc, yc, w, h, sig], axis=0
        )

    _dma(b, par).start()

    @pl.when(b == nB - 1)
    def _():
        if nB >= 2:
            _dma(b - 1, 1 - par).wait()
        _dma(b, par).wait()


def kernel(raw, anchors, img_size):
    nB, C, nG, _ = raw.shape
    nA = anchors.shape[0]
    nCH = C // nA
    img = jnp.asarray(img_size)
    stride = (img // nG).astype(jnp.float32)
    clipmax = img.astype(jnp.float32)
    params = jnp.concatenate(
        [anchors.reshape(-1).astype(jnp.float32), jnp.stack([stride, clipmax])]
    )
    x = jnp.transpose(raw, (0, 2, 3, 1))
    out = pl.pallas_call(
        functools.partial(_decode_block, nG=nG, nCH=nCH, nA=nA, nB=nB),
        grid=(nB,),
        in_specs=[
            pl.BlockSpec(memory_space=pltpu.SMEM),
            pl.BlockSpec((1, nG, nG, C), lambda b: (b, 0, 0, 0)),
        ],
        out_specs=pl.BlockSpec(memory_space=pl.ANY),
        out_shape=jax.ShapeDtypeStruct((nB, nCH, nA * nG * nG), jnp.float32),
        scratch_shapes=[
            pltpu.VMEM((2, nCH, nA * nG * nG), jnp.float32),
            pltpu.SemaphoreType.DMA((2,)),
        ],
    )(params, x)
    return jnp.transpose(out, (0, 2, 1))

# --- scband reference (transcript-rebuilt; emitter-appended) ---
"""Pipeline reference for scband-yolov3-7696581394896 (READ-ONLY COPY).

The authoritative reference and input builder live on the scoring server;
editing this copy changes nothing except your own understanding.
"""

import jax, jax.numpy as jnp
import numpy as np

ANCHORS_ALL = np.array([[10,13],[16,30],[33,23],[30,61],[62,45],[59,119],[116,90],[156,198],[373,326]], dtype=np.float32)
ANCHOR_INDICES = [0, 1, 2]


def setup_inputs(seed: int = 0) -> dict:
    key = jax.random.key(seed)
    raw = jax.random.normal(key, (16, 255, 64, 64), dtype=jnp.float32)
    anchors = jnp.asarray(ANCHORS_ALL[ANCHOR_INDICES])  # (3, 2) buffer from __init__
    return {"raw": raw, "anchors": anchors, "img_size": 512}


def _ltrb_to_xywh(ltrb, nG, stride):
    # grid cell centers (FCOS-style): cx = (x + 0.5) * stride
    ys, xs = jnp.meshgrid(jnp.arange(nG, dtype=jnp.float32),
                          jnp.arange(nG, dtype=jnp.float32), indexing='ij')
    cx = (xs + 0.5) * stride  # (nG, nG)
    cy = (ys + 0.5) * stride
    l = ltrb[..., 0]
    t = ltrb[..., 1]
    r = ltrb[..., 2]
    b = ltrb[..., 3]
    xc = cx + (r - l) * 0.5
    yc = cy + (b - t) * 0.5
    w = l + r
    h = t + b
    return jnp.stack([xc, yc, w, h], axis=-1)


def reference(raw, anchors, img_size):
    # FCOSLayer.forward inference path (labels=None), ltrb_setting='exp_l2'
    nB = raw.shape[0]
    nA = anchors.shape[0]
    nG = raw.shape[2]
    nCH = raw.shape[1] // nA  # 5 + n_cls
    img_size = jnp.asarray(img_size)
    stride = (img_size // nG).astype(jnp.float32)
    x = raw.reshape(nB, nA, nCH, nG, nG)
    x = jnp.transpose(x, (0, 1, 3, 4, 2))  # (nB, nA, nG, nG, nCH)
    anch_w = anchors[:, 0].reshape(1, nA, 1, 1)
    anch_h = anchors[:, 1].reshape(1, nA, 1, 1)
    l = jnp.exp(x[..., 0]) * anch_w
    t = jnp.exp(x[..., 1]) * anch_h
    r = jnp.exp(x[..., 2]) * anch_w
    b = jnp.exp(x[..., 3]) * anch_h
    ltrb = jnp.stack([l, t, r, b], axis=-1)
    ltrb = jnp.clip(ltrb, 0.0, img_size.astype(jnp.float32))
    xywh = _ltrb_to_xywh(ltrb, nG, stride)
    conf = jax.nn.sigmoid(x[..., 4:5])
    cls = jax.nn.sigmoid(x[..., 5:])
    preds = jnp.concatenate([xywh, conf, cls], axis=-1)
    return preds.reshape(nB, nA * nG * nG, nCH)

if __name__ == "__main__":
    import jax
    _d = setup_inputs()
    print(jax.jit(kernel)(*tuple(_d.values())))

</pallas_src>

<mosaic_0001>
module attributes {stable_mosaic.version = 14 : i64} {
  func.func @_decode_block(%arg0: i32, %arg1: memref<8xf32, #tpu.memory_space<smem>>, %arg2: memref<1x64x64x255xf32, #tpu.memory_space<vmem>>, %arg3: memref<16x85x12288xf32, #tpu.memory_space<any>>, %arg4: memref<2x85x12288xf32, #tpu.memory_space<vmem>>, %arg5: memref<2x!tpu.dma_semaphore, #tpu.memory_space<semaphore_mem>>) attributes {dimension_semantics = [#tpu.dimension_semantics<arbitrary>], iteration_bounds = array<i64: 16>, scalar_prefetch = 0 : i64, scratch_operands = 2 : i64, tpu.core_type = #tpu.core_type<tc>, window_params = [{transform_indices = @transform_0, window_bounds = array<i64: 8>}, {transform_indices = @transform_1, window_bounds = array<i64: 1, 64, 64, 255>}, {}]} {
    %rem3A = arith.constant 2 : i32
    %rem3A_0 = arith.remsi %arg0, %rem3A : i32
    %get3A = arith.constant 6 : index
    %get3A_1 = memref.load %arg1[%get3A] : memref<8xf32, #tpu.memory_space<smem>>
    %get3A_2 = arith.constant 7 : index
    %get3A_3 = memref.load %arg1[%get3A_2] : memref<8xf32, #tpu.memory_space<smem>>
    %ge3A = arith.constant 2 : i32
    %ge3A_4 = arith.cmpi sge, %arg0, %ge3A : i32
    %convert_element_type3A = arith.extui %ge3A_4 : i1 to i32
    %cond3A = arith.constant 0 : i32
    %cond3A_5 = arith.cmpi ne, %convert_element_type3A, %cond3A : i32
    scf.if %cond3A_5 {
      %sub3A_265 = arith.constant 2 : i32
      %sub3A_266 = arith.subi %arg0, %sub3A_265 : i32
      %dma_wait3A = tpu.memref_slice %arg5[%rem3A_0] : memref<2x!tpu.dma_semaphore, #tpu.memory_space<semaphore_mem>> -> memref<1x!tpu.dma_semaphore, #tpu.memory_space<semaphore_mem>>
      %dma_wait3A_267 = tpu.memref_squeeze %dma_wait3A : memref<1x!tpu.dma_semaphore, #tpu.memory_space<semaphore_mem>> -> memref<!tpu.dma_semaphore, #tpu.memory_space<semaphore_mem>>
      %dma_wait3A_268 = arith.constant 0 : i32
      %dma_wait3A_269 = arith.constant 0 : i32
      %dma_wait3A_270 = tpu.memref_slice %arg3[%sub3A_266, %dma_wait3A_268, %dma_wait3A_269] : memref<16x85x12288xf32, #tpu.memory_space<any>> -> memref<1x85x12288xf32, #tpu.memory_space<any>>
      %dma_wait3A_271 = tpu.memref_squeeze %dma_wait3A_270 : memref<1x85x12288xf32, #tpu.memory_space<any>> -> memref<85x12288xf32, #tpu.memory_space<any>>
      %dma_wait3A_272 = arith.constant 0 : i32
      %dma_wait3A_273 = arith.constant 0 : i32
      %dma_wait3A_274 = tpu.memref_slice %arg4[%rem3A_0, %dma_wait3A_272, %dma_wait3A_273] : memref<2x85x12288xf32, #tpu.memory_space<vmem>> -> memref<1x85x12288xf32, #tpu.memory_space<vmem>>
      %dma_wait3A_275 = tpu.memref_squeeze %dma_wait3A_274 : memref<1x85x12288xf32, #tpu.memory_space<vmem>> -> memref<85x12288xf32, #tpu.memory_space<vmem>>
      tpu.wait_dma2 semaphore(%dma_wait3A_267 : memref<!tpu.dma_semaphore, #tpu.memory_space<semaphore_mem>>) src(%dma_wait3A_275 : memref<85x12288xf32, #tpu.memory_space<vmem>>) dst(%dma_wait3A_271 : memref<85x12288xf32, #tpu.memory_space<any>>)
    } else {
    }
    %get3A_6 = arith.constant 0 : index
    %get3A_7 = arith.constant 0 : index
    %get3A_8 = arith.constant 0 : index
    %get3A_9 = arith.constant 0 : index
    %get3A_10 = vector.load %arg2[%get3A_6, %get3A_7, %get3A_8, %get3A_9] : memref<1x64x64x255xf32, #tpu.memory_space<vmem>>, vector<1x64x64x255xf32>
    %get3A_11 = vector.shape_cast %get3A_10 : vector<1x64x64x255xf32> to vector<64x64x255xf32>
    %reshape3A = vector.shape_cast %get3A_11 : vector<64x64x255xf32> to vector<4096x255xf32>
    %transpose3A = tpu.transpose %reshape3A, [1, 0] : vector<4096x255xf32> -> vector<255x4096xf32>
    %iota3A = tpu.iota {dimensions = array<i32: 1>} : vector<1x4096xi32>
    %jit3A = arith.constant 64 : i32
    %eq3A = arith.constant 0 : i32
    %eq3A_12 = arith.cmpi eq, %jit3A, %eq3A : i32
    %jit3A_13 = arith.constant 1 : i32
    %select_n3A = arith.select %eq3A_12, %jit3A_13, %jit3A : i32
    %rem3A_14 = vector.broadcast %select_n3A : i32 to vector<1x4096xi32>
    %rem3A_15 = arith.remsi %iota3A, %rem3A_14 : vector<1x4096xi32>
    %ne3A = arith.constant 0 : i32
    %ne3A_16 = vector.broadcast %ne3A : i32 to vector<1x4096xi32>
    %ne3A_17 = arith.cmpi ne, %rem3A_15, %ne3A_16 : vector<1x4096xi32>
    %lt3A = arith.constant 0 : i32
    %lt3A_18 = vector.broadcast %lt3A : i32 to vector<1x4096xi32>
    %lt3A_19 = arith.cmpi slt, %rem3A_15, %lt3A_18 : vector<1x4096xi32>
    %lt3A_20 = arith.constant 0 : i32
    %lt3A_21 = arith.cmpi slt, %select_n3A, %lt3A_20 : i32
    %ne3A_22 = vector.broadcast %lt3A_21 : i1 to vector<1x4096xi1>
    %ne3A_23 = vector.broadcast %ne3A_22 : vector<1x4096xi1> to vector<1x4096xi1>
    %ne3A_24 = arith.xori %lt3A_19, %ne3A_23 : vector<1x4096xi1>
    %and3A = arith.andi %ne3A_24, %ne3A_17 : vector<1x4096xi1>
    %add3A = vector.broadcast %select_n3A : i32 to vector<1x4096xi32>
    %add3A_25 = arith.addi %rem3A_15, %add3A : vector<1x4096xi32>
    %select_n3A_26 = arith.select %and3A, %add3A_25, %rem3A_15 : vector<1x4096xi1>, vector<1x4096xi32>
    %convert_element_type3A_27 = arith.sitofp %select_n3A_26 : vector<1x4096xi32> to vector<1x4096xf32>
    %jit3A_28 = arith.constant 64 : i32
    %div3A = vector.broadcast %jit3A_28 : i32 to vector<1x4096xi32>
    %div3A_29 = arith.divsi %iota3A, %div3A : vector<1x4096xi32>
    %sign3A = arith.constant 0 : i32
    %sign3A_30 = vector.broadcast %sign3A : i32 to vector<1x4096xi32>
    %sign3A_31 = arith.cmpi sgt, %iota3A, %sign3A_30 : vector<1x4096xi32>
    %sign3A_32 = arith.extui %sign3A_31 : vector<1x4096xi1> to vector<1x4096xi32>
    %sign3A_33 = arith.constant 0 : i32
    %sign3A_34 = vector.broadcast %sign3A_33 : i32 to vector<1x4096xi32>
    %sign3A_35 = arith.cmpi slt, %iota3A, %sign3A_34 : vector<1x4096xi32>
    %sign3A_36 = arith.extui %sign3A_35 : vector<1x4096xi1> to vector<1x4096xi32>
    %sign3A_37 = arith.subi %sign3A_32, %sign3A_36 : vector<1x4096xi32>
    %sign3A_38 = arith.constant 0 : i32
    %sign3A_39 = arith.cmpi sgt, %jit3A_28, %sign3A_38 : i32
    %sign3A_40 = arith.extui %sign3A_39 : i1 to i32
    %sign3A_41 = arith.constant 0 : i32
    %sign3A_42 = arith.cmpi slt, %jit3A_28, %sign3A_41 : i32
    %sign3A_43 = arith.extui %sign3A_42 : i1 to i32
    %sign3A_44 = arith.subi %sign3A_40, %sign3A_43 : i32
    %ne3A_45 = vector.broadcast %sign3A_44 : i32 to vector<1x4096xi32>
    %ne3A_46 = arith.cmpi ne, %sign3A_37, %ne3A_45 : vector<1x4096xi32>
    %rem3A_47 = vector.broadcast %jit3A_28 : i32 to vector<1x4096xi32>
    %rem3A_48 = arith.remsi %iota3A, %rem3A_47 : vector<1x4096xi32>
    %ne3A_49 = arith.constant 0 : i32
    %ne3A_50 = vector.broadcast %ne3A_49 : i32 to vector<1x4096xi32>
    %ne3A_51 = arith.cmpi ne, %rem3A_48, %ne3A_50 : vector<1x4096xi32>
    %and3A_52 = arith.andi %ne3A_46, %ne3A_51 : vector<1x4096xi1>
    %sub3A = arith.constant 1 : i32
    %sub3A_53 = vector.broadcast %sub3A : i32 to vector<1x4096xi32>
    %sub3A_54 = arith.subi %div3A_29, %sub3A_53 : vector<1x4096xi32>
    %select_n3A_55 = arith.select %and3A_52, %sub3A_54, %div3A_29 : vector<1x4096xi1>, vector<1x4096xi32>
    %convert_element_type3A_56 = arith.sitofp %select_n3A_55 : vector<1x4096xi32> to vector<1x4096xf32>
    %add3A_57 = arith.constant 5.000000e-01 : f32
    %add3A_58 = vector.broadcast %add3A_57 : f32 to vector<1x4096xf32>
    %add3A_59 = arith.addf %convert_element_type3A_27, %add3A_58 : vector<1x4096xf32>
    %mul3A = vector.broadcast %get3A_1 : f32 to vector<1x4096xf32>
    %mul3A_60 = arith.mulf %add3A_59, %mul3A : vector<1x4096xf32>
    %add3A_61 = arith.constant 5.000000e-01 : f32
    %add3A_62 = vector.broadcast %add3A_61 : f32 to vector<1x4096xf32>
    %add3A_63 = arith.addf %convert_element_type3A_56, %add3A_62 : vector<1x4096xf32>
    %mul3A_64 = vector.broadcast %get3A_1 : f32 to vector<1x4096xf32>
    %mul3A_65 = arith.mulf %add3A_63, %mul3A_64 : vector<1x4096xf32>
    %get3A_66 = arith.constant 0 : index
    %get3A_67 = memref.load %arg1[%get3A_66] : memref<8xf32, #tpu.memory_space<smem>>
    %get3A_68 = arith.constant 1 : index
    %get3A_69 = memref.load %arg1[%get3A_68] : memref<8xf32, #tpu.memory_space<smem>>
    %slice3A = vector.extract_strided_slice %transpose3A {offsets = [0, 0], sizes = [4, 4096], strides = [1, 1]} : vector<255x4096xf32> to vector<4x4096xf32>
    %exp3A = math.exp %slice3A : vector<4x4096xf32>
    %slice3A_70 = vector.extract_strided_slice %exp3A {offsets = [0, 0], sizes = [1, 4096], strides = [1, 1]} : vector<4x4096xf32> to vector<1x4096xf32>
    %mul3A_71 = vector.broadcast %get3A_67 : f32 to vector<1x4096xf32>
    %mul3A_72 = arith.mulf %slice3A_70, %mul3A_71 : vector<1x4096xf32>
    %jit3A_73 = arith.constant 0.000000e+00 : f32
    %max3A = vector.broadcast %jit3A_73 : f32 to vector<1x4096xf32>
    %max3A_74 = arith.maximumf %max3A, %mul3A_72 : vector<1x4096xf32>
    %min3A = vector.broadcast %get3A_3 : f32 to vector<1x4096xf32>
    %min3A_75 = arith.minimumf %min3A, %max3A_74 : vector<1x4096xf32>
    %slice3A_76 = vector.extract_strided_slice %exp3A {offsets = [1, 0], sizes = [1, 4096], strides = [1, 1]} : vector<4x4096xf32> to vector<1x4096xf32>
    %mul3A_77 = vector.broadcast %get3A_69 : f32 to vector<1x4096xf32>
    %mul3A_78 = arith.mulf %slice3A_76, %mul3A_77 : vector<1x4096xf32>
    %jit3A_79 = arith.constant 0.000000e+00 : f32
    %max3A_80 = vector.broadcast %jit3A_79 : f32 to vector<1x4096xf32>
    %max3A_81 = arith.maximumf %max3A_80, %mul3A_78 : vector<1x4096xf32>
    %min3A_82 = vector.broadcast %get3A_3 : f32 to vector<1x4096xf32>
    %min3A_83 = arith.minimumf %min3A_82, %max3A_81 : vector<1x4096xf32>
    %slice3A_84 = vector.extract_strided_slice %exp3A {offsets = [2, 0], sizes = [1, 4096], strides = [1, 1]} : vector<4x4096xf32> to vector<1x4096xf32>
    %mul3A_85 = vector.broadcast %get3A_67 : f32 to vector<1x4096xf32>
    %mul3A_86 = arith.mulf %slice3A_84, %mul3A_85 : vector<1x4096xf32>
    %jit3A_87 = arith.constant 0.000000e+00 : f32
    %max3A_88 = vector.broadcast %jit3A_87 : f32 to vector<1x4096xf32>
    %max3A_89 = arith.maximumf %max3A_88, %mul3A_86 : vector<1x4096xf32>
    %min3A_90 = vector.broadcast %get3A_3 : f32 to vector<1x4096xf32>
    %min3A_91 = arith.minimumf %min3A_90, %max3A_89 : vector<1x4096xf32>
    %slice3A_92 = vector.extract_strided_slice %exp3A {offsets = [3, 0], sizes = [1, 4096], strides = [1, 1]} : vector<4x4096xf32> to vector<1x4096xf32>
    %mul3A_93 = vector.broadcast %get3A_69 : f32 to vector<1x4096xf32>
    %mul3A_94 = arith.mulf %slice3A_92, %mul3A_93 : vector<1x4096xf32>
    %jit3A_95 = arith.constant 0.000000e+00 : f32
    %max3A_96 = vector.broadcast %jit3A_95 : f32 to vector<1x4096xf32>
    %max3A_97 = arith.maximumf %max3A_96, %mul3A_94 : vector<1x4096xf32>
    %min3A_98 = vector.broadcast %get3A_3 : f32 to vector<1x4096xf32>
    %min3A_99 = arith.minimumf %min3A_98, %max3A_97 : vector<1x4096xf32>
    %sub3A_100 = arith.subf %min3A_91, %min3A_75 : vector<1x4096xf32>
    %mul3A_101 = arith.constant 5.000000e-01 : f32
    %mul3A_102 = vector.broadcast %mul3A_101 : f32 to vector<1x4096xf32>
    %mul3A_103 = arith.mulf %sub3A_100, %mul3A_102 : vector<1x4096xf32>
    %add3A_104 = arith.addf %mul3A_60, %mul3A_103 : vector<1x4096xf32>
    %sub3A_105 = arith.subf %min3A_99, %min3A_83 : vector<1x4096xf32>
    %mul3A_106 = arith.constant 5.000000e-01 : f32
    %mul3A_107 = vector.broadcast %mul3A_106 : f32 to vector<1x4096xf32>
    %mul3A_108 = arith.mulf %sub3A_105, %mul3A_107 : vector<1x4096xf32>
    %add3A_109 = arith.addf %mul3A_65, %mul3A_108 : vector<1x4096xf32>
    %add3A_110 = arith.addf %min3A_75, %min3A_91 : vector<1x4096xf32>
    %add3A_111 = arith.addf %min3A_83, %min3A_99 : vector<1x4096xf32>
    %slice3A_112 = vector.extract_strided_slice %transpose3A {offsets = [4, 0], sizes = [81, 4096], strides = [1, 1]} : vector<255x4096xf32> to vector<81x4096xf32>
    %logistic3A = arith.negf %slice3A_112 : vector<81x4096xf32>
    %logistic3A_113 = math.exp %logistic3A : vector<81x4096xf32>
    %logistic3A_114 = arith.constant 1.000000e+00 : f32
    %logistic3A_115 = vector.broadcast %logistic3A_114 : f32 to vector<81x4096xf32>
    %logistic3A_116 = arith.addf %logistic3A_115, %logistic3A_113 : vector<81x4096xf32>
    %logistic3A_117 = arith.divf %logistic3A_115, %logistic3A_116 : vector<81x4096xf32>
    %concatenate3A = tpu.concatenate %add3A_104, %add3A_109, %add3A_110, %add3A_111, %logistic3A_117 in 0 : vector<1x4096xf32>, vector<1x4096xf32>, vector<1x4096xf32>, vector<1x4096xf32>, vector<81x4096xf32> -> vector<85x4096xf32>
    %swap3A = arith.index_cast %rem3A_0 : i32 to index
    %swap3A_118 = arith.constant 0 : index
    %swap3A_119 = arith.constant 0 : index
    %swap3A_120 = vector.load %arg4[%swap3A, %swap3A_118, %swap3A_119] : memref<2x85x12288xf32, #tpu.memory_space<vmem>>, vector<1x85x4096xf32>
    %swap3A_121 = vector.shape_cast %swap3A_120 : vector<1x85x4096xf32> to vector<85x4096xf32>
    %swap3A_122 = vector.shape_cast %concatenate3A : vector<85x4096xf32> to vector<1x85x4096xf32>
    tpu.vector_store %arg4[%swap3A, %swap3A_118, %swap3A_119], %swap3A_122 {strides = array<i32>} : memref<2x85x12288xf32, #tpu.memory_space<vmem>>, vector<1x85x4096xf32>,
    %get3A_123 = arith.constant 2 : index
    %get3A_124 = memref.load %arg1[%get3A_123] : memref<8xf32, #tpu.memory_space<smem>>
    %get3A_125 = arith.constant 3 : index
    %get3A_126 = memref.load %arg1[%get3A_125] : memref<8xf32, #tpu.memory_space<smem>>
    %slice3A_127 = vector.extract_strided_slice %transpose3A {offsets = [85, 0], sizes = [4, 4096], strides = [1, 1]} : vector<255x4096xf32> to vector<4x4096xf32>
    %exp3A_128 = math.exp %slice3A_127 : vector<4x4096xf32>
    %slice3A_129 = vector.extract_strided_slice %exp3A_128 {offsets = [0, 0], sizes = [1, 4096], strides = [1, 1]} : vector<4x4096xf32> to vector<1x4096xf32>
    %mul3A_130 = vector.broadcast %get3A_124 : f32 to vector<1x4096xf32>
    %mul3A_131 = arith.mulf %slice3A_129, %mul3A_130 : vector<1x4096xf32>
    %jit3A_132 = arith.constant 0.000000e+00 : f32
    %max3A_133 = vector.broadcast %jit3A_132 : f32 to vector<1x4096xf32>
    %max3A_134 = arith.maximumf %max3A_133, %mul3A_131 : vector<1x4096xf32>
    %min3A_135 = vector.broadcast %get3A_3 : f32 to vector<1x4096xf32>
    %min3A_136 = arith.minimumf %min3A_135, %max3A_134 : vector<1x4096xf32>
    %slice3A_137 = vector.extract_strided_slice %exp3A_128 {offsets = [1, 0], sizes = [1, 4096], strides = [1, 1]} : vector<4x4096xf32> to vector<1x4096xf32>
    %mul3A_138 = vector.broadcast %get3A_126 : f32 to vector<1x4096xf32>
    %mul3A_139 = arith.mulf %slice3A_137, %mul3A_138 : vector<1x4096xf32>
    %jit3A_140 = arith.constant 0.000000e+00 : f32
    %max3A_141 = vector.broadcast %jit3A_140 : f32 to vector<1x4096xf32>
    %max3A_142 = arith.maximumf %max3A_141, %mul3A_139 : vector<1x4096xf32>
    %min3A_143 = vector.broadcast %get3A_3 : f32 to vector<1x4096xf32>
    %min3A_144 = arith.minimumf %min3A_143, %max3A_142 : vector<1x4096xf32>
    %slice3A_145 = vector.extract_strided_slice %exp3A_128 {offsets = [2, 0], sizes = [1, 4096], strides = [1, 1]} : vector<4x4096xf32> to vector<1x4096xf32>
    %mul3A_146 = vector.broadcast %get3A_124 : f32 to vector<1x4096xf32>
    %mul3A_147 = arith.mulf %slice3A_145, %mul3A_146 : vector<1x4096xf32>
    %jit3A_148 = arith.constant 0.000000e+00 : f32
    %max3A_149 = vector.broadcast %jit3A_148 : f32 to vector<1x4096xf32>
    %max3A_150 = arith.maximumf %max3A_149, %mul3A_147 : vector<1x4096xf32>
    %min3A_151 = vector.broadcast %get3A_3 : f32 to vector<1x4096xf32>
    %min3A_152 = arith.minimumf %min3A_151, %max3A_150 : vector<1x4096xf32>
    %slice3A_153 = vector.extract_strided_slice %exp3A_128 {offsets = [3, 0], sizes = [1, 4096], strides = [1, 1]} : vector<4x4096xf32> to vector<1x4096xf32>
    %mul3A_154 = vector.broadcast %get3A_126 : f32 to vector<1x4096xf32>
    %mul3A_155 = arith.mulf %slice3A_153, %mul3A_154 : vector<1x4096xf32>
    %jit3A_156 = arith.constant 0.000000e+00 : f32
    %max3A_157 = vector.broadcast %jit3A_156 : f32 to vector<1x4096xf32>
    %max3A_158 = arith.maximumf %max3A_157, %mul3A_155 : vector<1x4096xf32>
    %min3A_159 = vector.broadcast %get3A_3 : f32 to vector<1x4096xf32>
    %min3A_160 = arith.minimumf %min3A_159, %max3A_158 : vector<1x4096xf32>
    %sub3A_161 = arith.subf %min3A_152, %min3A_136 : vector<1x4096xf32>
    %mul3A_162 = arith.constant 5.000000e-01 : f32
    %mul3A_163 = vector.broadcast %mul3A_162 : f32 to vector<1x4096xf32>
    %mul3A_164 = arith.mulf %sub3A_161, %mul3A_163 : vector<1x4096xf32>
    %add3A_165 = arith.addf %mul3A_60, %mul3A_164 : vector<1x4096xf32>
    %sub3A_166 = arith.subf %min3A_160, %min3A_144 : vector<1x4096xf32>
    %mul3A_167 = arith.constant 5.000000e-01 : f32
    %mul3A_168 = vector.broadcast %mul3A_167 : f32 to vector<1x4096xf32>
    %mul3A_169 = arith.mulf %sub3A_166, %mul3A_168 : vector<1x4096xf32>
    %add3A_170 = arith.addf %mul3A_65, %mul3A_169 : vector<1x4096xf32>
    %add3A_171 = arith.addf %min3A_136, %min3A_152 : vector<1x4096xf32>
    %add3A_172 = arith.addf %min3A_144, %min3A_160 : vector<1x4096xf32>
    %slice3A_173 = vector.extract_strided_slice %transpose3A {offsets = [89, 0], sizes = [81, 4096], strides = [1, 1]} : vector<255x4096xf32> to vector<81x4096xf32>
    %logistic3A_174 = arith.negf %slice3A_173 : vector<81x4096xf32>
    %logistic3A_175 = math.exp %logistic3A_174 : vector<81x4096xf32>
    %logistic3A_176 = arith.constant 1.000000e+00 : f32
    %logistic3A_177 = vector.broadcast %logistic3A_176 : f32 to vector<81x4096xf32>
    %logistic3A_178 = arith.addf %logistic3A_177, %logistic3A_175 : vector<81x4096xf32>
    %logistic3A_179 = arith.divf %logistic3A_177, %logistic3A_178 : vector<81x4096xf32>
    %concatenate3A_180 = tpu.concatenate %add3A_165, %add3A_170, %add3A_171, %add3A_172, %logistic3A_179 in 0 : vector<1x4096xf32>, vector<1x4096xf32>, vector<1x4096xf32>, vector<1x4096xf32>, vector<81x4096xf32> -> vector<85x4096xf32>
    %swap3A_181 = arith.index_cast %rem3A_0 : i32 to index
    %swap3A_182 = arith.constant 0 : index
    %swap3A_183 = arith.constant 4096 : index
    %swap3A_184 = vector.load %arg4[%swap3A_181, %swap3A_182, %swap3A_183] : memref<2x85x12288xf32, #tpu.memory_space<vmem>>, vector<1x85x4096xf32>
    %swap3A_185 = vector.shape_cast %swap3A_184 : vector<1x85x4096xf32> to vector<85x4096xf32>
    %swap3A_186 = vector.shape_cast %concatenate3A_180 : vector<85x4096xf32> to vector<1x85x4096xf32>
    tpu.vector_store %arg4[%swap3A_181, %swap3A_182, %swap3A_183], %swap3A_186 {strides = array<i32>} : memref<2x85x12288xf32, #tpu.memory_space<vmem>>, vector<1x85x4096xf32>,
    %get3A_187 = arith.constant 4 : index
    %get3A_188 = memref.load %arg1[%get3A_187] : memref<8xf32, #tpu.memory_space<smem>>
    %get3A_189 = arith.constant 5 : index
    %get3A_190 = memref.load %arg1[%get3A_189] : memref<8xf32, #tpu.memory_space<smem>>
    %slice3A_191 = vector.extract_strided_slice %transpose3A {offsets = [170, 0], sizes = [4, 4096], strides = [1, 1]} : vector<255x4096xf32> to vector<4x4096xf32>
    %exp3A_192 = math.exp %slice3A_191 : vector<4x4096xf32>
    %slice3A_193 = vector.extract_strided_slice %exp3A_192 {offsets = [0, 0], sizes = [1, 4096], strides = [1, 1]} : vector<4x4096xf32> to vector<1x4096xf32>
    %mul3A_194 = vector.broadcast %get3A_188 : f32 to vector<1x4096xf32>
    %mul3A_195 = arith.mulf %slice3A_193, %mul3A_194 : vector<1x4096xf32>
    %jit3A_196 = arith.constant 0.000000e+00 : f32
    %max3A_197 = vector.broadcast %jit3A_196 : f32 to vector<1x4096xf32>
    %max3A_198 = arith.maximumf %max3A_197, %mul3A_195 : vector<1x4096xf32>
    %min3A_199 = vector.broadcast %get3A_3 : f32 to vector<1x4096xf32>
    %min3A_200 = arith.minimumf %min3A_199, %max3A_198 : vector<1x4096xf32>
    %slice3A_201 = vector.extract_strided_slice %exp3A_192 {offsets = [1, 0], sizes = [1, 4096], strides = [1, 1]} : vector<4x4096xf32> to vector<1x4096xf32>
    %mul3A_202 = vector.broadcast %get3A_190 : f32 to vector<1x4096xf32>
    %mul3A_203 = arith.mulf %slice3A_201, %mul3A_202 : vector<1x4096xf32>
    %jit3A_204 = arith.constant 0.000000e+00 : f32
    %max3A_205 = vector.broadcast %jit3A_204 : f32 to vector<1x4096xf32>
    %max3A_206 = arith.maximumf %max3A_205, %mul3A_203 : vector<1x4096xf32>
    %min3A_207 = vector.broadcast %get3A_3 : f32 to vector<1x4096xf32>
    %min3A_208 = arith.minimumf %min3A_207, %max3A_206 : vector<1x4096xf32>
    %slice3A_209 = vector.extract_strided_slice %exp3A_192 {offsets = [2, 0], sizes = [1, 4096], strides = [1, 1]} : vector<4x4096xf32> to vector<1x4096xf32>
    %mul3A_210 = vector.broadcast %get3A_188 : f32 to vector<1x4096xf32>
    %mul3A_211 = arith.mulf %slice3A_209, %mul3A_210 : vector<1x4096xf32>
    %jit3A_212 = arith.constant 0.000000e+00 : f32
    %max3A_213 = vector.broadcast %jit3A_212 : f32 to vector<1x4096xf32>
    %max3A_214 = arith.maximumf %max3A_213, %mul3A_211 : vector<1x4096xf32>
    %min3A_215 = vector.broadcast %get3A_3 : f32 to vector<1x4096xf32>
    %min3A_216 = arith.minimumf %min3A_215, %max3A_214 : vector<1x4096xf32>
    %slice3A_217 = vector.extract_strided_slice %exp3A_192 {offsets = [3, 0], sizes = [1, 4096], strides = [1, 1]} : vector<4x4096xf32> to vector<1x4096xf32>
    %mul3A_218 = vector.broadcast %get3A_190 : f32 to vector<1x4096xf32>
    %mul3A_219 = arith.mulf %slice3A_217, %mul3A_218 : vector<1x4096xf32>
    %jit3A_220 = arith.constant 0.000000e+00 : f32
    %max3A_221 = vector.broadcast %jit3A_220 : f32 to vector<1x4096xf32>
    %max3A_222 = arith.maximumf %max3A_221, %mul3A_219 : vector<1x4096xf32>
    %min3A_223 = vector.broadcast %get3A_3 : f32 to vector<1x4096xf32>
    %min3A_224 = arith.minimumf %min3A_223, %max3A_222 : vector<1x4096xf32>
    %sub3A_225 = arith.subf %min3A_216, %min3A_200 : vector<1x4096xf32>
    %mul3A_226 = arith.constant 5.000000e-01 : f32
    %mul3A_227 = vector.broadcast %mul3A_226 : f32 to vector<1x4096xf32>
    %mul3A_228 = arith.mulf %sub3A_225, %mul3A_227 : vector<1x4096xf32>
    %add3A_229 = arith.addf %mul3A_60, %mul3A_228 : vector<1x4096xf32>
    %sub3A_230 = arith.subf %min3A_224, %min3A_208 : vector<1x4096xf32>
    %mul3A_231 = arith.constant 5.000000e-01 : f32
    %mul3A_232 = vector.broadcast %mul3A_231 : f32 to vector<1x4096xf32>
    %mul3A_233 = arith.mulf %sub3A_230, %mul3A_232 : vector<1x4096xf32>
    %add3A_234 = arith.addf %mul3A_65, %mul3A_233 : vector<1x4096xf32>
    %add3A_235 = arith.addf %min3A_200, %min3A_216 : vector<1x4096xf32>
    %add3A_236 = arith.addf %min3A_208, %min3A_224 : vector<1x4096xf32>
    %slice3A_237 = vector.extract_strided_slice %transpose3A {offsets = [174, 0], sizes = [81, 4096], strides = [1, 1]} : vector<255x4096xf32> to vector<81x4096xf32>
    %logistic3A_238 = arith.negf %slice3A_237 : vector<81x4096xf32>
    %logistic3A_239 = math.exp %logistic3A_238 : vector<81x4096xf32>
    %logistic3A_240 = arith.constant 1.000000e+00 : f32
    %logistic3A_241 = vector.broadcast %logistic3A_240 : f32 to vector<81x4096xf32>
    %logistic3A_242 = arith.addf %logistic3A_241, %logistic3A_239 : vector<81x4096xf32>
    %logistic3A_243 = arith.divf %logistic3A_241, %logistic3A_242 : vector<81x4096xf32>
    %concatenate3A_244 = tpu.concatenate %add3A_229, %add3A_234, %add3A_235, %add3A_236, %logistic3A_243 in 0 : vector<1x4096xf32>, vector<1x4096xf32>, vector<1x4096xf32>, vector<1x4096xf32>, vector<81x4096xf32> -> vector<85x4096xf32>
    %swap3A_245 = arith.index_cast %rem3A_0 : i32 to index
    %swap3A_246 = arith.constant 0 : index
    %swap3A_247 = arith.constant 8192 : index
    %swap3A_248 = vector.load %arg4[%swap3A_245, %swap3A_246, %swap3A_247] : memref<2x85x12288xf32, #tpu.memory_space<vmem>>, vector<1x85x4096xf32>
    %swap3A_249 = vector.shape_cast %swap3A_248 : vector<1x85x4096xf32> to vector<85x4096xf32>
    %swap3A_250 = vector.shape_cast %concatenate3A_244 : vector<85x4096xf32> to vector<1x85x4096xf32>
    tpu.vector_store %arg4[%swap3A_245, %swap3A_246, %swap3A_247], %swap3A_250 {strides = array<i32>} : memref<2x85x12288xf32, #tpu.memory_space<vmem>>, vector<1x85x4096xf32>,
    %dma_start3A = tpu.memref_slice %arg5[%rem3A_0] : memref<2x!tpu.dma_semaphore, #tpu.memory_space<semaphore_mem>> -> memref<1x!tpu.dma_semaphore, #tpu.memory_space<semaphore_mem>>
    %dma_start3A_251 = tpu.memref_squeeze %dma_start3A : memref<1x!tpu.dma_semaphore, #tpu.memory_space<semaphore_mem>> -> memref<!tpu.dma_semaphore, #tpu.memory_space<semaphore_mem>>
    %dma_start3A_252 = arith.constant 0 : i32
    %dma_start3A_253 = arith.constant 0 : i32
    %dma_start3A_254 = tpu.memref_slice %arg3[%arg0, %dma_start3A_252, %dma_start3A_253] : memref<16x85x12288xf32, #tpu.memory_space<any>> -> memref<1x85x12288xf32, #tpu.memory_space<any>>
    %dma_start3A_255 = tpu.memref_squeeze %dma_start3A_254 : memref<1x85x12288xf32, #tpu.memory_space<any>> -> memref<85x12288xf32, #tpu.memory_space<any>>
    %dma_start3A_256 = arith.constant 0 : i32
    %dma_start3A_257 = arith.constant 0 : i32
    %dma_start3A_258 = tpu.memref_slice %arg4[%rem3A_0, %dma_start3A_256, %dma_start3A_257] : memref<2x85x12288xf32, #tpu.memory_space<vmem>> -> memref<1x85x12288xf32, #tpu.memory_space<vmem>>
    %dma_start3A_259 = tpu.memref_squeeze %dma_start3A_258 : memref<1x85x12288xf32, #tpu.memory_space<vmem>> -> memref<85x12288xf32, #tpu.memory_space<vmem>>
    tpu.enqueue_dma source(%dma_start3A_259 : memref<85x12288xf32, #tpu.memory_space<vmem>>) target(%dma_start3A_255 : memref<85x12288xf32, #tpu.memory_space<any>>) target_semaphore(%dma_start3A_251 : memref<!tpu.dma_semaphore, #tpu.memory_space<semaphore_mem>>)
    %eq3A_260 = arith.constant 15 : i32
    %eq3A_261 = arith.cmpi eq, %arg0, %eq3A_260 : i32
    %convert_element_type3A_262 = arith.extui %eq3A_261 : i1 to i32
    %cond3A_263 = arith.constant 0 : i32
    %cond3A_264 = arith.cmpi ne, %convert_element_type3A_262, %cond3A_263 : i32
    scf.if %cond3A_264 {
      %sub3A_265 = arith.constant 1 : i32
      %sub3A_266 = arith.subi %arg0, %sub3A_265 : i32
      %sub3A_267 = arith.constant 1 : i32
      %sub3A_268 = arith.subi %sub3A_267, %rem3A_0 : i32
      %dma_wait3A = tpu.memref_slice %arg5[%sub3A_268] : memref<2x!tpu.dma_semaphore, #tpu.memory_space<semaphore_mem>> -> memref<1x!tpu.dma_semaphore, #tpu.memory_space<semaphore_mem>>
      %dma_wait3A_269 = tpu.memref_squeeze %dma_wait3A : memref<1x!tpu.dma_semaphore, #tpu.memory_space<semaphore_mem>> -> memref<!tpu.dma_semaphore, #tpu.memory_space<semaphore_mem>>
      %dma_wait3A_270 = arith.constant 0 : i32
      %dma_wait3A_271 = arith.constant 0 : i32
      %dma_wait3A_272 = tpu.memref_slice %arg3[%sub3A_266, %dma_wait3A_270, %dma_wait3A_271] : memref<16x85x12288xf32, #tpu.memory_space<any>> -> memref<1x85x12288xf32, #tpu.memory_space<any>>
      %dma_wait3A_273 = tpu.memref_squeeze %dma_wait3A_272 : memref<1x85x12288xf32, #tpu.memory_space<any>> -> memref<85x12288xf32, #tpu.memory_space<any>>
      %dma_wait3A_274 = arith.constant 0 : i32
      %dma_wait3A_275 = arith.constant 0 : i32
      %dma_wait3A_276 = tpu.memref_slice %arg4[%sub3A_268, %dma_wait3A_274, %dma_wait3A_275] : memref<2x85x12288xf32, #tpu.memory_space<vmem>> -> memref<1x85x12288xf32, #tpu.memory_space<vmem>>
      %dma_wait3A_277 = tpu.memref_squeeze %dma_wait3A_276 : memref<1x85x12288xf32, #tpu.memory_space<vmem>> -> memref<85x12288xf32, #tpu.memory_space<vmem>>
      tpu.wait_dma2 semaphore(%dma_wait3A_269 : memref<!tpu.dma_semaphore, #tpu.memory_space<semaphore_mem>>) src(%dma_wait3A_277 : memref<85x12288xf32, #tpu.memory_space<vmem>>) dst(%dma_wait3A_273 : memref<85x12288xf32, #tpu.memory_space<any>>)
      %dma_wait3A_278 = tpu.memref_slice %arg5[%rem3A_0] : memref<2x!tpu.dma_semaphore, #tpu.memory_space<semaphore_mem>> -> memref<1x!tpu.dma_semaphore, #tpu.memory_space<semaphore_mem>>
      %dma_wait3A_279 = tpu.memref_squeeze %dma_wait3A_278 : memref<1x!tpu.dma_semaphore, #tpu.memory_space<semaphore_mem>> -> memref<!tpu.dma_semaphore, #tpu.memory_space<semaphore_mem>>
      %dma_wait3A_280 = arith.constant 0 : i32
      %dma_wait3A_281 = arith.constant 0 : i32
      %dma_wait3A_282 = tpu.memref_slice %arg3[%arg0, %dma_wait3A_280, %dma_wait3A_281] : memref<16x85x12288xf32, #tpu.memory_space<any>> -> memref<1x85x12288xf32, #tpu.memory_space<any>>
      %dma_wait3A_283 = tpu.memref_squeeze %dma_wait3A_282 : memref<1x85x12288xf32, #tpu.memory_space<any>> -> memref<85x12288xf32, #tpu.memory_space<any>>
      %dma_wait3A_284 = arith.constant 0 : i32
      %dma_wait3A_285 = arith.constant 0 : i32
      %dma_wait3A_286 = tpu.memref_slice %arg4[%rem3A_0, %dma_wait3A_284, %dma_wait3A_285] : memref<2x85x12288xf32, #tpu.memory_space<vmem>> -> memref<1x85x12288xf32, #tpu.memory_space<vmem>>
      %dma_wait3A_287 = tpu.memref_squeeze %dma_wait3A_286 : memref<1x85x12288xf32, #tpu.memory_space<vmem>> -> memref<85x12288xf32, #tpu.memory_space<vmem>>
      tpu.wait_dma2 semaphore(%dma_wait3A_279 : memref<!tpu.dma_semaphore, #tpu.memory_space<semaphore_mem>>) src(%dma_wait3A_287 : memref<85x12288xf32, #tpu.memory_space<vmem>>) dst(%dma_wait3A_283 : memref<85x12288xf32, #tpu.memory_space<any>>)
    } else {
    }
    return
  }
  func.func @transform_0(%arg0: i32) -> i32 {
    %c0_i32 = arith.constant 0 : i32
    %c0_i32_0 = arith.constant 0 : i32
    return %c0_i32 : i32
  }
  func.func @transform_1(%arg0: i32) -> (i32, i32, i32, i32) {
    %c0_i32 = arith.constant 0 : i32
    %c0_i32_0 = arith.constant 0 : i32
    %c0_i32_1 = arith.constant 0 : i32
    %c0_i32_2 = arith.constant 0 : i32
    return %arg0, %c0_i32, %c0_i32_0, %c0_i32_1 : i32, i32, i32, i32
  }
}

</mosaic_0001>

<sc_bundles>
// kernel: sparse-core-data-format-call.cloned.1.call-start
scs
called_computation_lowered:
.L_overlay_start_0:
0x0: {  	s2 =	sld [smem:$0x3FD9]  }
0x1: {  	s3 =	sld [smem:$0x3FFE];
	_ =	sdelay $0x1  }
0x2: {  	s1 =	srdreg.scid  }
0x3: {  	s0 =	sand.u32 $0x1, s1  }
0x4: {  	s18 =	sshll.u32 s0, $0xA;
	s2 =	sadd.s32 s3, s2  }
0x5: {  	s2 =	sadd.s32 s2, s18  }
0x6: {  	[smem:$0x3FC5] =	sst s2  }
0x7: {  	_ = 	snop  }
0x8: {  	s2 =	sld [smem:$0x3FD0];
	(tm) =	ssettm $0x1  }
0x9: {  	s19 =	sld [smem:$0x3FFB];
	_ =	sdelay $0x3  }
0xa: {  	_ =	strace s19  }
0xb: {  	s3 =	sld [smem:$0x3FFC];
	_ =	sdelay $0x3  }
0xc: {  	_ =	strace s3  }
0xd: {  	s3 =	sld [smem:$0x3FFD];
	_ =	sdelay $0x3  }
0xe: {  	_ =	strace s3  }
0xf: {  	_ =	strace $0x8FFFFFFF  }
0x10: {  	s20 =	sld [smem:$0x3FDB];
	_ =	sdelay $0x1  }
0x11: {  	s4 =	simm.s32 $_scs_section_size  }
0x12: {  	s5 =	simm.s32 $_size__tile_overlayer_lowered;
	s6 =	simm.s32 $_tile_overlayer_lowered  }
0x13: {  	s23 =	simm.s32 $0x1BFF;
	s22 =	sshll.u32 s6, $0x1;
	s3 =	sadd.s32 s4, s20  }
0x14: {  	s7 =	simm.s32 $0x0;
	s21 =	sshll.u32 s5, $0x1;
	s5 =	sadd.s32 s22, s3  }
0x15: {  	[timem:s7], [sflag:s23] =	dma.local [hbm:s5], s21  }
0x16: {  	_ =	swait.ge [sflag:s23], s21  }
0x17: {  	s4 =	ssub.s32 $0x0, s21;
	[sflag:s23] =	ssyncset.done $0x0  }
0x18: {  	[sflag:s23] =	ssyncadd.s32 s4;
	_ =	sdelay $0x1  }
0x19: {  	s24 =	simm.s32 $0x1B8B  }
0x1a: {  	_ =	swait.ge [sflag:s24], $0x1  }
0x1b: {  	[sflag:s24] =	ssyncset.done $0x0  }
0x1c: {  	s26 =	simm.s32 $0x1B8E;
	s25 =	sld [smem:$0x3FFE];
	[sflag:s24] =	ssyncadd.s32 $0xFFFFFFFF  }
0x1d: {  	s27 =	simm.s32 $execute0_lowered;
	[smem:$0x3FD2] =	sst s26  }
0x1e: {  	s5 =	sshll.u32 s27, $0x1;
	_ =	strace $0x80000046;
	[dreg:$0x1] =	wrdreg $0xFFFFFFFF  }
0x1f: {  	s28 =	simm.s32 $_size_execute0_lowered;
	s3 =	sadd.s32 s3, s5;
	[dreg:$0x0] =	wrdreg $0x0  }
0x20: {  	s5 =	sshll.u32 s28, $0x1;
	[dreg:$0x2] =	wrdreg s3  }
0x21: {  	[dreg:$0x3] =	wrdreg s5  }
0x22: {  	[dreg:$0x4] =	wrdreg $0xC0  }
0x23: {  	_ =	task [dreg:s7], $0x5FFFF  }
0x24: {  	[dreg:$0x1] =	wrdreg $0xFFFFFFFF  }
0x25: {  	[dreg:$0x0] =	wrdreg $0x60  }
0x26: {  	[dreg:$0x2] =	wrdreg s25  }
0x27: {  	[dreg:$0x3] =	wrdreg s2  }
0x28: {  	[dreg:$0x4] =	wrdreg $0x9  }
0x29: {  	_ =	task.clear_ibuf [dreg:s7], $0x5FFFF;
	_ =	strace $0x90000046  }
0x2a: {  	s29 =	simm.s32 $0x9;
	_ =	strace $0x80000048  }
0x2b: {  	_ =	swait.ge [sflag:s29], $0x1  }
0x2c: {  	[sflag:s29] =	ssyncadd.s32 $0xFFFFFFFF  }
0x2d: {  	_ =	strace $0x90000048  }
0x2e: {  	_ =	sfence  }
0x2f: {  	s30 =	sld [smem:$0x0];
	_ =	sdelay $0x2  }
0x30: {  	s31 =	sshll.u32 s1, $0xD;
	s1 =	sshrl.u32 s1, $0x2  }
0x31: {  	s3 =	sand.u32 $0x4000, s31;
	s1 =	sadd.s32 s1, s30  }
0x32: {  	s0 =	sor.u32 s3, s0;
	s1 =	sshll.u32 s1, $0x11  }
0x33: {  	s0 =	sor.u32 s1, s0  }
0x34: {  	s0 =	sadd.s32 $0x8F2B, s0  }
0x35: {  	[sflag:s0] =	ssyncadd.remote.s32 $0x1  }
0x36: {  	_ =	sfence.sel $0xFFFF  }
0x37: {  	[dreg:$0x0] =	wrdreg $0xFFFFFFFF;
	(pc) =	sbr.abs _section_cstart, $3  }
0x38: {  	[dreg:$0x1] =	wrdreg $0xFFFFFFFF  }
0x39: {  	_ =	task.clear_ibuf [dreg:s7], $0x2FFFF;
	_ =	strace $0x9FFFFFFF  }
0x3a: {  	(tm) =	ssettm $0x7FFFFFFF  }
0x3b: {  	_ =	shalt  }
tec
execute0_lowered:
.L_overlay_start_1:
0x0: {  	(tag) =	ssettag $0x1  }
0x1: {  	s2 =	stileid.u32;
	s0 =	srdreg.scid  }
0x2: {  	s7 =	rddreg [dreg:$0x0];
	s1 =	sshll.u32 s2, $0x7;
	s0 =	sshll.u32 s0, $0xB  }
0x3: {  	_ =	strace $0x80000047;
	s2 =	sshll.u32 s2, $0x3;
	s0 =	sor.u32 s1, s0  }
0x4: {  	s31 =	simm.s32 $0x2;
	s1 =	sand.u32 $0x8, s2;
	s2 =	sand.u32 $0xF00, s0  }
0x5: {  	s18 =	simm.s32 $0x0;
	s30 =	ssub.s32 $0x10, s1;
	s3 =	ssub.s32 $0x3000, s2  }
0x6: {  	s9 =	simm.s32 $0x30000;
	s4 =	sshrl.u32 s30, $0x4;
	s5 =	sand.u32 $0xF00, s3  }
0x7: {  	s0 =	sshrl.u32 s30, $0x3;
	p0 =	sne.s32 s5, $0x0;
	s5 =	simm.s32 $0x1  }
0x8: {  	s0 =	sand.u32 $0x1, s0;
	s3 =	sshrl.u32 s3, $0xC;
	s5 =	simm.s32 @!p0 $0x0  }
0x9: {  	s10 =	simm.s32 $0x0;
	s0 =	sadd.s32 s4, s0;
	s3 =	sadd.s32 s5, s3  }
0xa: {  	s20 =	simm.s32 $0x0;
	s19 =	simm.s32 $0x0;
	s0 =	smul.u32 s3, s0  }
.Ltmp0:
0xb: {  	s11 =	simm.s32 $0x0;
	s12 =	simm.s32 $0x0;
	(pc) =	sbr.rel .LBB1_1-.Ltmp0, $4  }
0xc: {  	s13 =	simm.s32 $0x0;
	s15 =	simm.s32 $0x0;
	s17 =	simm.s32 $0x0  }
0xd: {  	s26 =	simm.s32 $0x0;
	s5 =	simm.s32 $0x1;
	s6 =	smul.u32 $0xB, s0  }
0xe: {  	s7 =	sadd.s32 $0x400, s7;
	s16 =	smov.u32 s1;
	[sflag:s5] =	ssyncpa.u1 $0x0  }
0xf: {  	s14 =	smov.u32 s2;
	[sflag:s31] =	ssyncpa.u1 $0x0;
	s8 =	sadd.s32 $0x1, s6  }
.LBB1_7:
0x10: {  	p0 =	slt.u32 s17, $0x2  }
0x11: {  	s0 =	smov.u32 s20;
	p1 =	sgt.s32 @!p0 s20, $0x4D  }
0x12: {  	s4 =	smov.u32 s19;
	s3 =	sshra.s32 @!p0 s20, $0x1F;
	p1 =	por !p1, p0  }
0x13: {  	s3 =	sand.u32 @!p0 s3, s20;
	s0 =	simm.s32 @p1 $0x4D;
	p1 =	sgt.s32 @!p0 s19, $0x8  }
0x14: {  	s20 =	sshra.s32 @!p0 s19, $0x1F;
	p1 =	por !p1, p0;
	s0 =	ssub.s32 @!p0 s0, s3  }
0x15: {  	s3 =	sand.u32 @!p0 s20, s19;
	s4 =	simm.s32 @p1 $0x8;
	s19 =	sadd.s32 @!p0 $0xFFFFFFB3, s0  }
0x16: {  	p1 =	sgt.s32 @!p0 s18, $0x2F00;
	s3 =	ssub.s32 @!p0 s4, s3;
	p2 =	sgt.s32 @!p0 s19, $0x7  }
0x17: {  	p1 =	por !p1, p0;
	s19 =	smov.u32 s18;
	s4 =	sadd.s32 @!p0 $0xFFFFFFF8, s3  }
0x18: {  	s19 =	simm.s32 @p1 $0x2F00;
	p1 =	sgt.s32 @!p0 s4, $0x7;
	s4 =	sshra.s32 @!p0 s18, $0x1F  }
0x19: {  	s0 =	ssub.s32 @!p0 $0x55, s0;
	p2 =	por !p2, p0;
	s4 =	sand.u32 @!p0 s4, s18  }
0x1a: {  	s3 =	ssub.s32 @!p0 $0x10, s3;
	p1 =	por !p1, p0;
	s4 =	ssub.s32 @!p0 s19, s4  }
0x1b: {  	s0 =	simm.s32 @!p2 $0x0;
	s3 =	simm.s32 @!p1 $0x0;
	s18 =	sadd.s32 @!p0 $0xFFFFD100, s4  }
0x1c: {  	s21 =	smov.u32 s15;
	s0 =	smul.u32 @!p0 s3, s0;
	p1 =	sgt.s32 @!p0 s18, $0xFF  }
0x1d: {  	s3 =	ssub.s32 @!p0 $0x3000, s4;
	s4 =	sadd.s32 $0x1000, s14;
	p1 =	por !p1, p0  }
0x1e: {  	s18 =	sadd.s32 $0x8, s15;
	s3 =	simm.s32 @!p1 $0x0;
	p1 =	sgt.s32 s4, $0x2FFF  }
0x1f: {  	s22 =	smov.u32 s16;
	s21 =	smov.u32 @p1 s18  }
0x20: {  	s0 =	smul.u32 @!p0 s3, s0;
	s3 =	sadd.s32 $0x10, s16;
	p2 =	sgt.s32 s21, $0x54  }
0x21: {  	s10 =	sadd.s32 $0x4000, s10;
	s20 =	smov.u32 s12;
	s22 =	smov.u32 @p2 s3  }
0x22: {  	s12 =	smov.u32 s15;
	s4 =	smov.u32 @p1 s2;
	p1 =	sgt.s32 s22, $0xF  }
0x23: {  	s19 =	smov.u32 s13;
	s22 =	smov.u32 @p1 s1;
	p1 =	sne.s32 s17, s8  }
.Ltmp1:
0x24: {  	s13 =	smov.u32 s16;
	s18 =	smov.u32 s11;
	(pc) =	sbr.rel @!p1 .LBB1_8-.Ltmp1, $4  }
0x25: {  	s11 =	smov.u32 s14;
	s0 =	sand.u32 @!p0 $0x3FFFFFFF, s0;
	s3 =	simm.s32 @!p0 $0x2  }
0x26: {  	s14 =	smov.u32 s4;
	s21 =	simm.s32 @p2 $0x0;
	_ =	swait.ge @!p0 [sflag:s3], s0  }
0x27: {  	s0 =	ssub.s32 @!p0 $0x0, s0;
	s15 =	smov.u32 s21;
	[sflag:s3] =	ssyncset.done @!p0 $0x0  }
0x28: {  	s17 =	sadd.s32 $0x1, s17;
	[sflag:s3] =	ssyncadd.s32 @!p0 s0;
	s16 =	smov.u32 s22  }
.LBB1_1:
0x29: {  	p0 =	sge.u32 s17, s6  }
0x2a: {  	s0 =	sshrl.u32 @!p0 s15, $0x3  }
0x2b: {  	s3 =	sshll.u32 @!p0 s14, $0x3;
	s0 =	smul.u32 @!p0 $0x18000, s0  }
0x2c: {  	s4 =	sshll.u32 @!p0 s15, $0x7;
	s3 =	sand.u32 @!p0 $0xFFFFFC00, s3  }
0x2d: {  	s21 =	sand.u32 @!p0 $0x7F, s14;
	s0 =	sadd.s32 @!p0 s0, s3;
	s3 =	sand.u32 @!p0 $0x380, s4  }
0x2e: {  	s3 =	sor.u32 @!p0 s21, s3;
	s4 =	smulhi.u32 @!p0 $0xAAAAAAAB, s0  }
0x2f: {  	s0 =	sor.u32 @!p0 s0, s3  }
0x30: {  	s3 =	smulhi.u32 @!p0 $0xAAAAAAAB, s0;
	s4 =	sshrl.u32 @!p0 s4, $0xD  }
0x31: {  	s21 =	smulhi.u32 @!p0 $0x2E8BA2F, s4;
	_ =	sdelay $0x1  }
0x32: {  	s3 =	sshrl.u32 @!p0 s3, $0xD;
	s21 =	smul.u32 @!p0 $0x58, s21  }
0x33: {  	s31 =	sadd.s32 $0xFFFFFFFF, s17;
	s3 =	smul.u32 @!p0 $0x3000, s3  }
0x34: {  	s22 =	sxor.u32 @!p0 $0xFFFFFFFF, s17;
	s4 =	ssub.s32 @!p0 s4, s21;
	s21 =	smul.u32 @!p0 $0x21000, s16  }
0x35: {  	s22 =	sshll.u32 @!p0 s22, $0xE;
	s0 =	ssub.s32 @!p0 s0, s3;
	s3 =	smul.u32 @!p0 $0x600, s4  }
0x36: {  	s4 =	sand.u32 @!p0 $0x4000, s22;
	s22 =	sand.u32 @!p0 $0x7, s0;
	s21 =	sadd.s32 @!p0 s7, s21  }
0x37: {  	s0 =	sshrl.u32 @!p0 s0, $0x3;
	s3 =	sadd.s32 @!p0 s3, s21;
	s21 =	sshll.u32 @!p0 s22, $0x12  }
0x38: {  	s0 =	sadd.s32 @!p0 s0, s3;
	s3 =	sor.u32 @!p0 $0x800, s21;
	s21 =	simm.s32 @!p0 $0x108000  }
0x39: {  	[tilespmem:s4], [sflag:$0x1] =	stream.strided.gather @!p0 [hbm4b:s0+s3], $0x4000, s21, s3, $0x38;
	[tilespmem:$0x10000] =	vst v63  }
0x3a: {  	p0 =	sge.u32 s31, s6  }
.Ltmp2:
0x3b: {  	_ = 	snop;
	(pc) =	sbr.rel @p0 .LBB1_7-.Ltmp2, $1  }
0x3c: {  	_ =	sdelay $0x3  }
0x3d: {  	s0 =	sshll.u32 s10, $0x2;
	_ =	swait.ge [sflag:s5], $0x4000;
	s3 =	sshll.u32 s17, $0xE  }
0x3e: {  	p0 =	por $0x0, $0x0;
	s27 =	simm.s32 $0x0;
	s28 =	simm.s32 $0x0  }
0x3f: {  	s0 =	sand.u32 $0x10000, s0;
	[sflag:s5] =	ssyncset.done $0x0;
	s24 =	sand.u32 $0x4000, s3  }
0x40: {  	s0 =	sshrl.u32 s0, $0x2;
	[sflag:s5] =	ssyncadd.s32 $0xFFFFC000;
	s21 =	sor.u32 $0x8000, s24  }
0x41: {  	s22 =	sor.u32 $0x40, s0;
	s23 =	sor.u32 $0x8410, s0;
	s25 =	sadd.s32 $0x8400, s0  }
.LBB1_3:
0x42: {  	v1 =	vld [tilespmem:s22+$0xFFFFFFD0]  }
0x43: {  	v2 =	vld [tilespmem:s22+$0x430]  }
0x44: {  	s0 =	sshll.u32 s28, $0xB;
	v4 =	vld [tilespmem:s22+$0xFFFFFFE0]  }
0x45: {  	v7 =	vld [tilespmem:s22+$0xFFFFFFF0];
	v0 =	vmov s0  }
0x46: {  	v8 =	vld [tilespmem:s22+$0x0]  }
0x47: {  	s4 =	sand.u32 $0x300, s26;
	v9 =	vld [tilespmem:s22+$0x10]  }
0x48: {  	s3 =	sand.u32 $0x80, s26;
	v10 =	vld [tilespmem:s22+$0x20];
	s0 =	sadd.s32 s4, s24  }
0x49: {  	v11 =	vld [tilespmem:s22+$0x30];
	s0 =	sadd.s32 s3, s0;
	s3 =	simm.s32 $0x1;
	[tilespmem:s23+$0x60] =	vst v2  }
0x4a: {  	s4 =	sshll.u32 s27, $0x2;
	s3 =	simm.s32 @!p0 $0x0;
	[tilespmem:s23+$0xFFFFFC00] =	vst v1;
	v3 =	vld.idx.msk [tilespmem:v0+s0+$0x400 ss:$0x1], $0xffff  }
0x4b: {  	v6 =	vld [tilespmem:s22+$0x3D0];
	s3 =	sshll.u32 s3, $0x9;
	[tilespmem:s23+$0xFFFFFC10] =	vst v4;
	s0 =	sand.u32 $0xFFFFFC00, s4  }
0x4c: {  	v5 =	vld [tilespmem:s22+$0x3E0];
	[tilespmem:s23+$0xFFFFFC20] =	vst v7;
	s0 =	sor.u32 s3, s0  }
0x4d: {  	[tilespmem:s23+$0xFFFFFC30] =	vst v8;
	v4 =	vld [tilespmem:s22+$0x400];
	s0 =	sshrl.u32 s0, $0x2  }
0x4e: {  	[tilespmem:s23+$0xFFFFFC40] =	vst v9;
	v1 =	vld [tilespmem:s22+$0x410];
	s29 =	sadd.s32 s0, s25  }
0x4f: {  	[tilespmem:s29+$0x0] =	vst v3;
	v3 =	vld [tilespmem:s22+$0x3F0]  }
0x50: {  	s30 =	sadd.s32 $0x80, s22;
	[tilespmem:s23+$0xFFFFFC50] =	vst v10;
	v2 =	vld [tilespmem:s22+$0x420];
	s0 =	simm.s32 $0x80  }
0x51: {  	s31 =	smov.u32 s23;
	v7 =	vld [tilespmem:s22+$0xFFFFFFC0];
	[tilespmem:s23+$0xFFFFFC60] =	vst v11;
	s3 =	simm.s32 $0x100;
	s4 =	sand.u32 $0x300, s0  }
.LBB1_4:
0x52: {  	p1 =	sne.s32 s3, $0x380;
	v8 =	vld [tilespmem:s30+$0xFFFFFFD0];
	s0 =	sand.u32 $0x80, s0;
	s4 =	sadd.s32 s4, s24;
	[tilespmem:s31+$0x0] =	vst v6  }
0x53: {  	s4 =	sadd.s32 s0, s4;
	v6 =	vld [tilespmem:s30+$0x430];
	[tilespmem:s31+$0x10] =	vst v5;
	s0 =	smov.u32 s3  }
0x54: {  	v5 =	vld.idx.msk [tilespmem:v0+s4+$0x400 ss:$0x1], $0xffff;
	[tilespmem:s31+$0x20] =	vst v3  }
0x55: {  	v3 =	vld [tilespmem:s30+$0xFFFFFFE0];
	[tilespmem:s31+$0x30] =	vst v4  }
0x56: {  	v4 =	vld [tilespmem:s30+$0xFFFFFFF0];
	[tilespmem:s31+$0xFFFFFBF0] =	vst v7  }
0x57: {  	v7 =	vld [tilespmem:s30+$0x0];
	[tilespmem:s31+$0x40] =	vst v1  }
0x58: {  	v1 =	vld [tilespmem:s30+$0x10];
	[tilespmem:s31+$0x50] =	vst v2;
	s31 =	sadd.s32 $0x800, s31  }
0x59: {  	s29 =	sadd.s32 $0x800, s29;
	v2 =	vld [tilespmem:s30+$0x20];
	[tilespmem:s31+$0x60] =	vst v6  }
0x5a: {  	v9 =	vld [tilespmem:s30+$0x30];
	[tilespmem:s29+$0x0] =	vst v5  }
0x5b: {  	[tilespmem:s31+$0xFFFFFC00] =	vst v8;
	v6 =	vld [tilespmem:s30+$0x3D0]  }
0x5c: {  	[tilespmem:s31+$0xFFFFFC10] =	vst v3;
	v5 =	vld [tilespmem:s30+$0x3E0]  }
.Ltmp3:
0x5d: {  	[tilespmem:s31+$0xFFFFFC20] =	vst v4;
	v3 =	vld [tilespmem:s30+$0x3F0];
	(pc) =	sbr.rel @p1 .LBB1_4-.Ltmp3, $4  }
0x5e: {  	[tilespmem:s31+$0xFFFFFC30] =	vst v7;
	v4 =	vld [tilespmem:s30+$0x400]  }
0x5f: {  	[tilespmem:s31+$0xFFFFFC40] =	vst v1;
	v1 =	vld [tilespmem:s30+$0x410]  }
0x60: {  	[tilespmem:s31+$0xFFFFFC50] =	vst v2;
	v2 =	vld [tilespmem:s30+$0x420]  }
0x61: {  	s3 =	sadd.s32 $0x80, s3;
	s4 =	sand.u32 $0x300, s0;
	v7 =	vld [tilespmem:s30+$0xFFFFFFC0];
	[tilespmem:s31+$0xFFFFFC60] =	vst v9;
	s30 =	sadd.s32 $0x80, s30  }
0x62: {  	[tilespmem:s31+$0x0] =	vst v6  }
0x63: {  	[tilespmem:s31+$0x10] =	vst v5  }
0x64: {  	v49 =	vld [tilespmem:s30+$0x430];
	[tilespmem:s31+$0x20] =	vst v3  }
0x65: {  	v50 =	vld [tilespmem:s30+$0xFFFFFFD0];
	[tilespmem:s31+$0x30] =	vst v4  }
0x66: {  	v51 =	vld [tilespmem:s30+$0xFFFFFFE0];
	[tilespmem:s31+$0x40] =	vst v1  }
0x67: {  	v52 =	vld [tilespmem:s30+$0xFFFFFFF0];
	[tilespmem:s31+$0x50] =	vst v2  }
0x68: {  	s3 =	sadd.s32 s4, s24;
	s4 =	sadd.s32 $0x800, s31;
	v53 =	vld [tilespmem:s30+$0x0];
	[tilespmem:s31+$0xFFFFFBF0] =	vst v7  }
0x69: {  	v54 =	vld [tilespmem:s30+$0x10];
	[tilespmem:s4+$0x60] =	vst v49  }
0x6a: {  	v55 =	vld [tilespmem:s30+$0x20];
	[tilespmem:s4+$0xFFFFFC00] =	vst v50  }
0x6b: {  	v56 =	vld [tilespmem:s30+$0x30];
	[tilespmem:s4+$0xFFFFFC10] =	vst v51  }
0x6c: {  	v57 =	vld [tilespmem:s30+$0x3D0];
	[tilespmem:s4+$0xFFFFFC20] =	vst v52  }
0x6d: {  	v58 =	vld [tilespmem:s30+$0x3E0];
	[tilespmem:s4+$0xFFFFFC30] =	vst v53  }
0x6e: {  	v59 =	vld [tilespmem:s30+$0x3F0];
	[tilespmem:s4+$0xFFFFFC40] =	vst v54  }
0x6f: {  	v60 =	vld [tilespmem:s30+$0x400];
	[tilespmem:s4+$0xFFFFFC50] =	vst v55  }
0x70: {  	v61 =	vld [tilespmem:s30+$0xFFFFFFC0];
	[tilespmem:s4+$0xFFFFFC60] =	vst v56  }
0x71: {  	s0 =	sand.u32 $0x80, s0;
	v62 =	vld [tilespmem:s30+$0x410];
	[tilespmem:s4+$0x0] =	vst v57  }
0x72: {  	v63 =	vld [tilespmem:s30+$0x420];
	s28 =	sadd.s32 $0x1, s28;
	s0 =	sadd.s32 s0, s3;
	[tilespmem:s4+$0x10] =	vst v58  }
0x73: {  	p1 =	sne.s32 s28, $0x8;
	v0 =	vld.idx.msk [tilespmem:v0+s0+$0x400 ss:$0x1], $0xffff;
	[tilespmem:s4+$0x20] =	vst v59  }
.Ltmp4:
0x74: {  	[tilespmem:s4+$0x30] =	vst v60;
	(pc) =	sbr.rel @p1 .LBB1_3-.Ltmp4, $4  }
0x75: {  	[tilespmem:s4+$0xFFFFFBF0] =	vst v61  }
0x76: {  	[tilespmem:s4+$0x40] =	vst v62  }
0x77: {  	s22 =	sadd.s32 $0x800, s22;
	s31 =	sadd.s32 $0x800, s29;
	[tilespmem:s4+$0x50] =	vst v63  }
0x78: {  	s27 =	sadd.s32 $0x80, s27;
	p0 =	por !p0, !p0;
	s23 =	sadd.s32 $0x80, s23;
	[tilespmem:s31+$0x0] =	vst v0  }
0x79: {  	s0 =	sshrl.u32 s13, $0x3  }
0x7a: {  	s3 =	sshll.u32 s11, $0x3;
	s4 =	sshll.u32 s13, $0x7;
	s22 =	sand.u32 $0x7F, s11  }
0x7b: {  	p0 =	sgt.s32 s12, $0x4D;
	s29 =	sshra.s32 s12, $0x1F;
	s23 =	sshra.s32 s13, $0x1F  }
0x7c: {  	p1 =	sgt.s32 s11, $0x2F00;
	s25 =	sshra.s32 s11, $0x1F;
	s27 =	smul.u32 $0x6000, s12  }
0x7d: {  	s0 =	smul.u32 $0x18000, s0;
	s3 =	sand.u32 $0xFFFFFC00, s3;
	s28 =	sand.u32 $0x380, s4  }
0x7e: {  	s4 =	smov.u32 s12;
	s23 =	sand.u32 s23, s13;
	s25 =	sand.u32 s25, s11  }
0x7f: {  	s4 =	simm.s32 @!p0 $0x4D;
	p0 =	sgt.s32 s13, $0x8;
	s0 =	sadd.s32 s0, s3  }
0x80: {  	s3 =	sor.u32 s28, s22;
	s22 =	sand.u32 s29, s12;
	s28 =	rddreg [dreg:$0x1]  }
0x81: {  	s3 =	sor.u32 s0, s3;
	s4 =	ssub.s32 s4, s22;
	s22 =	smov.u32 s13  }
0x82: {  	s0 =	smulhi.u32 $0xAAAAAAAB, s0;
	s24 =	sadd.s32 $0xFFFFFFB3, s4;
	s22 =	simm.s32 @!p0 $0x8  }
0x83: {  	s31 =	smulhi.u32 $0xAAAAAAAB, s3;
	s4 =	ssub.s32 $0x55, s4;
	p0 =	sgt.s32 s24, $0x7  }
0x84: {  	s22 =	ssub.s32 s22, s23;
	s23 =	smov.u32 s11;
	s0 =	sshrl.u32 s0, $0xD  }
0x85: {  	s30 =	sadd.s32 $0xFFFFFFF8, s22;
	s23 =	simm.s32 @!p1 $0x2F00;
	s4 =	simm.s32 @p0 $0x0  }
0x86: {  	s24 =	sshrl.u32 s31, $0xD;
	s22 =	ssub.s32 $0x10, s22;
	s0 =	sand.u32 $0xF, s0  }
0x87: {  	p1 =	sgt.s32 s30, $0x7;
	s23 =	ssub.s32 s23, s25;
	s24 =	smul.u32 $0x3000, s24  }
0x88: {  	s0 =	smul.u32 $0x600, s0;
	s22 =	simm.s32 @p1 $0x0;
	s25 =	sadd.s32 $0xFFFFD100, s23  }
0x89: {  	s4 =	smul.u32 s22, s4;
	p0 =	sgt.s32 s25, $0xFF;
	s22 =	ssub.s32 $0x3000, s23  }
.Ltmp5:
0x8a: {  	s3 =	ssub.s32 s3, s24;
	s22 =	simm.s32 @p0 $0x0;
	(pc) =	sbr.rel .LBB1_7-.Ltmp5, $4  }
0x8b: {  	s29 =	sand.u32 $0x7, s3;
	s4 =	smul.u32 s22, s4;
	s22 =	sadd.s32 s28, s27  }
0x8c: {  	s3 =	sshrl.u32 s3, $0x3;
	s30 =	sshll.u32 s29, $0x12;
	s0 =	sadd.s32 s0, s22  }
0x8d: {  	s31 =	sor.u32 $0x800, s30;
	s4 =	sand.u32 $0x3FFFFFFF, s4;
	s0 =	sadd.s32 s3, s0  }
0x8e: {  	[hbm4b:s0+s31] =	stream.strided.scatter [tilespmem:s21], [sflag:$0x2], s4, s9, s31, $0x38;
	[tilespmem:$0x10000] =	vst v63  }
.LBB1_8:
0x8f: {  	_ =	sfence.sel $0x180000  }
0x90: {  	s0 =	simm.s32 $0x1;
	[bflag:$0x0] =	sbarrier.arrive $0xFFFF  }
0x91: {  	s30 =	simm.s32 $0x2;
	[sflag:s0] =	ssyncpa.u1 $0x1  }
0x92: {  	[sflag:s30] =	ssyncpa.u1 $0x1  }
0x93: {  	_ =	strace $0x90000047  }
0x94: {  	s31 =	stileid.u32;
	[bflag:$0x2] =	sbarrier.arrive $0xFFFF  }
0x95: {  	p0 =	sne.s32 s31, $0x0;
	s0 =	rddreg [dreg:$0x2]  }
0x96: {  	s0 =	sadd.s32 @!p0 $0x100000, s0  }
0x97: {  	[sflag:s0] =	ssyncadd.tile.s32 @!p0 $0x1;
	_ =	shalt  }
.Lfunc_end1:
_tile_overlayer_lowered:
.L_overlay_start_2:
0x98: {  	(tag) =	ssettag $0x2  }
0x99: {  	s0 =	rddreg [dreg:$0x0];
	s2 =	stileid.u32  }
0x9a: {  	s1 =	rddreg [dreg:$0x1];
	p0 =	sne.s32 s2, $0x0  }
0x9b: {  	s3 =	rddreg [dreg:$0x2];
	[bflag:$0x3] =	sbarrier.arrive $0xFFFF;
	s2 =	simm.s32 @!p0 $0x1C01  }
0x9c: {  	[timem:s3], [sflag:s2] =	dma.local @!p0 [hbm:s0], s1  }
0x9d: {  	s0 =	simm.s32 @!p0 $0x1  }
0x9e: {  	_ =	swait.ge @!p0 [sflag:s0], s1  }
0x9f: {  	s1 =	ssub.s32 @!p0 $0x0, s1;
	[sflag:s0] =	ssyncset.done @!p0 $0x0  }
0xa0: {  	[sflag:s0] =	ssyncadd.s32 @!p0 s1  }
0xa1: {  	[bflag:$0x3] =	sbarrier.arrive $0xFFFF  }
0xa2: {  	_ =	shalt  }

</sc_bundles>
